<compile_context>
chip_gen: v7x
topology: tpu7x:2x2x1
jax: 0.10.2.dev20260603
libtpu: 0.0.44.dev20260713+nightly
codegen_flags: <defaults>
</compile_context>

<pallas_src>
import functools

import jax
import jax.numpy as jnp
from jax import lax
from jax.experimental import pallas as pl
from jax.experimental.pallas import tpu as pltpu
from jax.experimental.pallas import tpu_sc as plsc

N = 10000
E = 160000
T = 320000
EMB = 128
NR = 6
NS = 7
NB = 4
NBLK = 2
NT = 12
CUTOFF = 5.0
P_ENV = 5

BE = 2000
BT = 2000
BN = 2000

_A = -(P_ENV + 1) * (P_ENV + 2) / 2.0
_B = P_ENV * (P_ENV + 2.0)
_C = -P_ENV * (P_ENV + 1) / 2.0


def _swish(x):
    return x * jax.nn.sigmoid(x)


def _edge_body(ps_ref, pd_ref, A1_ref, A2_ref, W3_ref, Wsbf_ref, Worbf0_ref,
               m_ref, rbf8_ref, geo_ref, t0_ref):
    ps = ps_ref[...][:, :16]
    pd = pd_ref[...][:, :16]
    vec = pd[:, :3] - ps[:, :3]
    d2 = jnp.sum(vec * vec, axis=-1) + 1e-9
    d = jnp.sqrt(d2)
    u = d / CUTOFF
    u4 = (u * u) * (u * u)
    env = 1.0 / u + _A * u4 + _B * u4 * u + _C * u4 * u * u
    scale = env / d
    k48 = lax.broadcasted_iota(jnp.int32, (1, 48), 1).astype(jnp.float32) + 1.0
    rbf_env48 = scale[:, None] * jnp.sin(jnp.pi * k48 * u[:, None])
    i8 = lax.broadcasted_iota(jnp.int32, (1, 8), 1)
    rbf8 = jnp.where(i8 < NR, rbf_env48[:, :8], 0.0)
    c56 = jnp.dot(rbf_env48, Wsbf_ref[...], preferred_element_type=jnp.float32)
    geo = jnp.concatenate(
        [vec, jnp.zeros((vec.shape[0], 1), jnp.float32), c56,
         jnp.zeros((vec.shape[0], 68), jnp.float32)], axis=1)
    zs = ps[:, 3].astype(jnp.int32)
    zd = pd[:, 3].astype(jnp.int32)
    ids = lax.broadcasted_iota(jnp.int32, (1, 96), 1)
    oh_s = (zs[:, None] == ids).astype(jnp.float32)
    oh_d = (zd[:, None] == ids).astype(jnp.float32)
    m_pre = (jnp.dot(oh_s, A1_ref[...], preferred_element_type=jnp.float32)
             + jnp.dot(oh_d, A2_ref[...], preferred_element_type=jnp.float32)
             + jnp.dot(rbf8, W3_ref[...], preferred_element_type=jnp.float32))
    m = _swish(m_pre)
    m_ref[...] = m
    rbf8_ref[...] = rbf8
    geo_ref[...] = geo
    t0_ref[...] = m * jnp.dot(rbf8, Worbf0_ref[...],
                              preferred_element_type=jnp.float32)


def _edge_stage(ps, pd, A1, A2, W3p, Wsbf_bd, Worbf0):
    grid = (E // BE,)
    rowspec = lambda w: pl.BlockSpec((BE, w), lambda i: (i, 0))
    full = lambda a: pl.BlockSpec(a.shape, lambda i: (0,) * a.ndim)
    return pl.pallas_call(
        _edge_body,
        grid=grid,
        in_specs=[rowspec(EMB), rowspec(EMB), full(A1), full(A2), full(W3p),
                  full(Wsbf_bd), full(Worbf0)],
        out_specs=[rowspec(EMB), rowspec(8), rowspec(EMB), rowspec(EMB)],
        out_shape=[
            jax.ShapeDtypeStruct((E, EMB), jnp.float32),
            jax.ShapeDtypeStruct((E, 8), jnp.float32),
            jax.ShapeDtypeStruct((E, EMB), jnp.float32),
            jax.ShapeDtypeStruct((E, EMB), jnp.float32),
        ],
    )(ps, pd, A1, A2, W3p, Wsbf_bd, Worbf0)


def _tri_init_body(geo_ref, vtd_ref, sbf8_ref):
    geo = geo_ref[...]
    r1 = geo[:, :3]
    r2 = vtd_ref[...][:, :3]
    xdot = jnp.sum(r1 * r2, axis=-1)
    cr0 = r1[:, 1] * r2[:, 2] - r1[:, 2] * r2[:, 1]
    cr1 = r1[:, 2] * r2[:, 0] - r1[:, 0] * r2[:, 2]
    cr2 = r1[:, 0] * r2[:, 1] - r1[:, 1] * r2[:, 0]
    ycr = jnp.sqrt(cr0 * cr0 + cr1 * cr1 + cr2 * cr2 + 1e-9)
    angle = jnp.arctan2(ycr, xdot)
    cols = []
    for blk in range(NBLK):
        for b in range(NB):
            acc = jnp.zeros_like(angle)
            for l in range(NS):
                acc = acc + jnp.cos(l * angle) * geo[:, 4 + blk * 28 + l * NB + b]
            cols.append(acc)
    sbf8_ref[...] = jnp.stack(cols, axis=1)


def _tri_init_stage(geo_t, vec_td):
    rowspec = lambda w: pl.BlockSpec((BT, w), lambda i: (i, 0))
    return pl.pallas_call(
        _tri_init_body,
        grid=(T // BT,),
        in_specs=[rowspec(EMB), rowspec(EMB)],
        out_specs=rowspec(8),
        out_shape=jax.ShapeDtypeStruct((T, 8), jnp.float32),
    )(geo_t, vec_td)


def _xsrc_body(m_ref, W_ref, x_ref):
    x_ref[...] = _swish(jnp.dot(m_ref[...], W_ref[...],
                                preferred_element_type=jnp.float32))


def _xsrc_stage(m, W):
    rowspec = pl.BlockSpec((BE, EMB), lambda i: (i, 0))
    return pl.pallas_call(
        _xsrc_body,
        grid=(E // BE,),
        in_specs=[rowspec, pl.BlockSpec(W.shape, lambda i: (0, 0))],
        out_specs=rowspec,
        out_shape=jax.ShapeDtypeStruct((E, EMB), jnp.float32),
    )(m, W)


def _bilinear_body(blk, xk_ref, sbf8_ref, Bcat_ref, msg_ref):
    z = jnp.dot(xk_ref[...].astype(jnp.bfloat16), Bcat_ref[...],
                preferred_element_type=jnp.float32)
    sbf8 = sbf8_ref[...]
    acc = jnp.zeros((z.shape[0], EMB), jnp.float32)
    for b in range(NB):
        w = sbf8[:, blk * NB + b:blk * NB + b + 1]
        acc = acc + z[:, b * EMB:(b + 1) * EMB] * w
    msg_ref[...] = acc


def _bilinear_stage(xk, sbf8, Bcat, blk):
    rowspec = lambda w: pl.BlockSpec((BT, w), lambda i: (i, 0))
    return pl.pallas_call(
        functools.partial(_bilinear_body, blk),
        grid=(T // BT,),
        in_specs=[rowspec(EMB), rowspec(8),
                  pl.BlockSpec(Bcat.shape, lambda i: (0, 0))],
        out_specs=rowspec(EMB),
        out_shape=jax.ShapeDtypeStruct((T, EMB), jnp.float32),
    )(xk, sbf8, Bcat)


def _post_body(m_ref, rbf8_ref, agg_ref, Wirbf_ref, Wb_ref, Wa0_ref, Wa1_ref,
               Worbf_ref, mout_ref, t_ref):
    m = m_ref[...]
    rbf8 = rbf8_ref[...]
    m_rbf = m * jnp.dot(rbf8, Wirbf_ref[...], preferred_element_type=jnp.float32)
    h2 = _swish(jnp.dot(m_rbf + agg_ref[...], Wb_ref[...],
                        preferred_element_type=jnp.float32))
    mm = m + h2
    mm = _swish(jnp.dot(mm, Wa0_ref[...], preferred_element_type=jnp.float32))
    mm = _swish(jnp.dot(mm, Wa1_ref[...], preferred_element_type=jnp.float32))
    mout_ref[...] = mm
    t_ref[...] = mm * jnp.dot(rbf8, Worbf_ref[...],
                              preferred_element_type=jnp.float32)


def _post_stage(m, rbf8, agg, Wirbf, Wb, Wa0, Wa1, Worbf):
    rowspec = lambda w: pl.BlockSpec((BE, w), lambda i: (i, 0))
    full = lambda a: pl.BlockSpec(a.shape, lambda i: (0, 0))
    return pl.pallas_call(
        _post_body,
        grid=(E // BE,),
        in_specs=[rowspec(EMB), rowspec(8), rowspec(EMB), full(Wirbf),
                  full(Wb), full(Wa0), full(Wa1), full(Worbf)],
        out_specs=[rowspec(EMB), rowspec(EMB)],
        out_shape=[jax.ShapeDtypeStruct((E, EMB), jnp.float32),
                   jax.ShapeDtypeStruct((E, EMB), jnp.float32)],
    )(m, rbf8, agg, Wirbf, Wb, Wa0, Wa1, Worbf)


def _node_body(node_ref, Wd0_ref, Wd1_ref, Wd2_ref, Wo_ref, p_ref):
    h = node_ref[0] + node_ref[1]
    h = _swish(jnp.dot(h, Wd0_ref[...], preferred_element_type=jnp.float32))
    h = _swish(jnp.dot(h, Wd1_ref[...], preferred_element_type=jnp.float32))
    h = _swish(jnp.dot(h, Wd2_ref[...], preferred_element_type=jnp.float32))
    p_ref[...] = jnp.dot(h, Wo_ref[...], preferred_element_type=jnp.float32)


def _node_stage(node, Wd, Wo):
    return pl.pallas_call(
        _node_body,
        grid=(N // BN,),
        in_specs=[pl.BlockSpec((2, BN, EMB), lambda i: (0, i, 0))]
        + [pl.BlockSpec((EMB, EMB), lambda i: (0, 0))] * 3
        + [pl.BlockSpec(Wo.shape, lambda i: (0, 0))],
        out_specs=pl.BlockSpec((BN, NT), lambda i: (i, 0)),
        out_shape=jax.ShapeDtypeStruct((N, NT), jnp.float32),
    )(node, Wd[0], Wd[1], Wd[2], Wo)


NW = 32


@functools.partial(jax.jit, static_argnums=(2,))
def _sc_gather(table, idx, ch=80):
    V, D = table.shape
    B = idx.shape[0]
    bpw = B // NW
    nch = bpw // ch
    mesh = plsc.VectorSubcoreMesh(core_axis_name="c", subcore_axis_name="s")

    @functools.partial(
        pl.kernel, mesh=mesh,
        out_type=jax.ShapeDtypeStruct((B, D), jnp.float32),
        scratch_types=[
            pltpu.VMEM((bpw,), jnp.int32),
            pltpu.VMEM((2, ch, D), jnp.float32),
            pltpu.SemaphoreType.DMA,
            pltpu.SemaphoreType.DMA,
        ],
    )
    def k(table_hbm, idx_hbm, out_hbm, idx_v, rows_v, sem_g, sem_s):
        wid = lax.axis_index("s") * 2 + lax.axis_index("c")
        base = pl.multiple_of(wid * bpw, 8)
        pltpu.sync_copy(idx_hbm.at[pl.ds(base, bpw)], idx_v)

        def g_desc(c, b):
            return pltpu.make_async_copy(
                table_hbm.at[idx_v.at[pl.ds(pl.multiple_of(c * ch, 8), ch)]],
                rows_v.at[b], sem_g)

        def s_desc(c, b):
            return pltpu.make_async_copy(
                rows_v.at[b],
                out_hbm.at[pl.ds(pl.multiple_of(base + c * ch, 8), ch)], sem_s)

        g_desc(0, 0).start()

        def step(c, carry):
            b = lax.rem(c, 2)
            g_desc(c, b).wait()

            @pl.when(c >= 1)
            def _():
                s_desc(c - 1, 1 - b).wait()

            @pl.when(c + 1 < nch)
            def _():
                g_desc(c + 1, 1 - b).start()

            s_desc(c, b).start()
            return carry

        lax.fori_loop(0, nch, step, 0)
        s_desc(nch - 1, (nch - 1) % 2).wait()

    return k(table, idx)


@functools.partial(jax.jit, static_argnums=(3, 4))
def _sc_scatter_node(vals, idx3, zrows, nrows, ch):
    B, D = vals.shape
    nch = idx3.shape[2]
    mesh = plsc.VectorSubcoreMesh(core_axis_name="c", subcore_axis_name="s")

    @functools.partial(
        pl.kernel, mesh=mesh,
        out_type=jax.ShapeDtypeStruct((2, nrows, D), jnp.float32),
        scratch_types=[
            pltpu.VMEM((nch, ch), jnp.int32),
            pltpu.VMEM((ch, D), jnp.float32),
            pltpu.VMEM_SHARED((nrows, D), jnp.float32),
            pltpu.SemaphoreType.DMA,
        ],
    )
    def k(vals_hbm, idx_hbm, zero_hbm, out_hbm, idx_v, rows_v, acc_sh, sem):
        cid = lax.axis_index("c")
        sid = lax.axis_index("s")
        half = nrows // 2
        @pl.when(sid < 2)
        def _():
            pltpu.sync_copy(zero_hbm,
                            acc_sh.at[pl.ds(pl.multiple_of(sid * half, 8), half)])
        plsc.subcore_barrier()
        pltpu.sync_copy(idx_hbm.at[cid, sid], idx_v)
        row0 = (cid * 16 + sid) * (nch * ch)

        def step(c, carry):
            pltpu.sync_copy(
                vals_hbm.at[pl.ds(pl.multiple_of(row0 + c * ch, 8), ch)], rows_v)
            pltpu.sync_copy(rows_v, acc_sh.at[idx_v.at[c]], add=True)
            return carry

        lax.fori_loop(0, nch, step, 0)
        plsc.subcore_barrier()

        @pl.when(sid < 2)
        def _():
            off = pl.multiple_of(sid * half, 8)
            pltpu.sync_copy(acc_sh.at[pl.ds(off, half)],
                            out_hbm.at[cid, pl.ds(off, half)])

    return k(vals, idx3, zrows)


def kernel(pos, Z, edge_index, triplet_index, atom_emb, W_emb, Wo_rbf,
           Wo_dense, Wo_out, Wi_rbf, Wi_sbf, Wi_src, Wi_bil, Wi_before,
           Wi_after):
    f32 = jnp.float32
    src = edge_index[0]
    dst = edge_index[1]
    ts = triplet_index[0]
    td = triplet_index[1]

    A1 = jnp.pad(atom_emb, ((0, 1), (0, 0))) @ W_emb[:EMB]
    A2 = jnp.pad(atom_emb, ((0, 1), (0, 0))) @ W_emb[EMB:2 * EMB]
    W3p = jnp.pad(W_emb[2 * EMB:], ((0, 2), (0, 0)))
    Wsbf_bd = jnp.zeros((48, 56), f32)
    for blk in range(NBLK):
        for l in range(NS):
            Wsbf_bd = Wsbf_bd.at[l * NR:(l + 1) * NR,
                                 blk * 28 + l * NB:blk * 28 + (l + 1) * NB].set(
                Wi_sbf[blk, l * NR:(l + 1) * NR, :])
    Wo_rbf8 = jnp.pad(Wo_rbf, ((0, 0), (0, 2), (0, 0)))
    Wi_rbf8 = jnp.pad(Wi_rbf, ((0, 0), (0, 2), (0, 0)))

    pos_z = jnp.concatenate(
        [pos, Z.astype(f32)[:, None], jnp.zeros((N, 124), f32)], axis=1)
    EP = 163840
    padi = jnp.arange(EP - E, dtype=jnp.int32) % N
    src_p = jnp.concatenate([src.astype(jnp.int32), padi])
    dst_p = jnp.concatenate([dst.astype(jnp.int32), padi])
    ts_i = ts.astype(jnp.int32)
    td_i = td.astype(jnp.int32)
    dst3 = dst.astype(jnp.int32).reshape(2, 16, 125, 40)
    zrows = jnp.zeros((N // 2, EMB), f32)

    ps = _sc_gather(pos_z, src_p)[:E]
    pd = _sc_gather(pos_z, dst_p)[:E]

    m, rbf8, geo, t0 = _edge_stage(ps, pd, A1, A2, W3p, Wsbf_bd, Wo_rbf8[0])

    geo_t = _sc_gather(geo, ts_i)
    vec_td = _sc_gather(geo, td_i)
    sbf8 = _tri_init_stage(geo_t, vec_td)

    node0 = _sc_scatter_node(t0, dst3, zrows, N, 40)
    P = _node_stage(node0, Wo_dense[0], Wo_out[0])

    for i in range(NBLK):
        x = _xsrc_stage(m, Wi_src[i])
        xk = _sc_gather(x, ts_i)
        Bcat = Wi_bil[i].reshape(EMB, NB * EMB).astype(jnp.bfloat16)
        msg = _bilinear_stage(xk, sbf8, Bcat, i)
        agg = jax.ops.segment_sum(msg, td, num_segments=E)
        m, t = _post_stage(m, rbf8, agg, Wi_rbf8[i], Wi_before[i],
                           Wi_after[i, 0], Wi_after[i, 1], Wo_rbf8[i + 1])
        node = _sc_scatter_node(t, dst3, zrows, N, 40)
        P = P + _node_stage(node, Wo_dense[i + 1], Wo_out[i + 1])

    return P

# --- scband reference (transcript-rebuilt; emitter-appended) ---
"""Pipeline reference for scband-dime-net-88098369176151 (READ-ONLY COPY).

The authoritative reference and input builder live on the scoring server;
editing this copy changes nothing except your own understanding.
"""

import jax, jax.numpy as jnp
import numpy as np

N = 10000
E = 160000
T = 320000
EMB = 128
NR = 6
NS = 7
NB = 4
NBLK = 2
NT = 12
CUTOFF = 5.0
P_ENV = 5


def swish(x):
    return x * jax.nn.sigmoid(x)


def envelope(u):
    p = P_ENV
    a = -(p + 1) * (p + 2) / 2.0
    b = p * (p + 2.0)
    c = -p * (p + 1) / 2.0
    return 1.0 / u + a * u ** (p - 1) + b * u ** p + c * u ** (p + 1)


def setup_inputs(seed: int = 0):
    key = jax.random.key(seed)
    ks = jax.random.split(key, 16)
    pos = jax.random.normal(ks[0], (N, 3), dtype=jnp.float32) * 2.0
    Z = jax.random.randint(ks[1], (N,), 0, 95)
    edge_index = jax.random.randint(ks[2], (2, E), 0, N)
    triplet_index = jax.random.randint(ks[3], (2, T), 0, E)
    atom_emb = jax.random.normal(ks[4], (95, EMB), dtype=jnp.float32) * 0.1
    W_emb = jax.random.normal(ks[5], (2 * EMB + NR, EMB), dtype=jnp.float32) / jnp.sqrt(2.0 * EMB + NR)
    Wo_rbf = jax.random.normal(ks[6], (NBLK + 1, NR, EMB), dtype=jnp.float32) / jnp.sqrt(1.0 * NR)
    Wo_dense = jax.random.normal(ks[7], (NBLK + 1, 3, EMB, EMB), dtype=jnp.float32) / jnp.sqrt(1.0 * EMB)
    Wo_out = jax.random.normal(ks[8], (NBLK + 1, EMB, NT), dtype=jnp.float32) / jnp.sqrt(1.0 * EMB)
    Wi_rbf = jax.random.normal(ks[9], (NBLK, NR, EMB), dtype=jnp.float32) / jnp.sqrt(1.0 * NR)
    Wi_sbf = jax.random.normal(ks[10], (NBLK, NS * NR, NB), dtype=jnp.float32) / jnp.sqrt(1.0 * NS * NR)
    Wi_src = jax.random.normal(ks[11], (NBLK, EMB, EMB), dtype=jnp.float32) / jnp.sqrt(1.0 * EMB)
    Wi_bil = jax.random.normal(ks[12], (NBLK, EMB, NB, EMB), dtype=jnp.float32) / jnp.sqrt(1.0 * EMB * NB)
    Wi_before = jax.random.normal(ks[13], (NBLK, EMB, EMB), dtype=jnp.float32) / jnp.sqrt(1.0 * EMB)
    Wi_after = jax.random.normal(ks[14], (NBLK, 2, EMB, EMB), dtype=jnp.float32) / jnp.sqrt(1.0 * EMB)
    return {
        "pos": pos, "Z": Z, "edge_index": edge_index, "triplet_index": triplet_index,
        "atom_emb": atom_emb, "W_emb": W_emb,
        "Wo_rbf": Wo_rbf, "Wo_dense": Wo_dense, "Wo_out": Wo_out,
        "Wi_rbf": Wi_rbf, "Wi_sbf": Wi_sbf, "Wi_src": Wi_src,
        "Wi_bil": Wi_bil, "Wi_before": Wi_before, "Wi_after": Wi_after,
    }


def reference(pos, Z, edge_index, triplet_index, atom_emb, W_emb,
              Wo_rbf, Wo_dense, Wo_out, Wi_rbf, Wi_sbf, Wi_src,
              Wi_bil, Wi_before, Wi_after):
    src = edge_index[0]
    dst = edge_index[1]
    # per-edge direction vectors ('o') and distances
    vec = pos[dst] - pos[src]
    d = jnp.sqrt(jnp.sum(vec * vec, axis=-1) + 1e-9)
    u = d / CUTOFF
    env = envelope(u)
    # radial Bessel basis (BesselBasisLayer)
    n = jnp.arange(1, NR + 1, dtype=jnp.float32)
    rbf = env[:, None] * jnp.sin(jnp.pi * n[None, :] * u[:, None]) / d[:, None]
    # enveloped radial basis used in sbf (rbf_env), one per (l, n) pair
    ln = jnp.arange(1, NS * NR + 1, dtype=jnp.float32)
    rbf_env = env[:, None] * jnp.sin(jnp.pi * ln[None, :] * u[:, None]) / d[:, None]

    # EmbeddingBlock: message per edge from src/dst atom embeddings + rbf
    h = jnp.concatenate([atom_emb[Z[src]], atom_emb[Z[dst]], rbf], axis=-1)
    m = swish(h @ W_emb)

    def output_block(i, m_e):
        t = m_e * (rbf @ Wo_rbf[i])
        node = jax.ops.segment_sum(t, dst, num_segments=N)
        for j in range(3):
            node = swish(node @ Wo_dense[i, j])
        return node @ Wo_out[i]

    P = output_block(0, m)

    # edge_init on line graph: angles between edge pairs (DimeNet.edge_init)
    ts = triplet_index[0]
    td = triplet_index[1]
    R1 = vec[ts]
    R2 = vec[td]
    xdot = jnp.sum(R1 * R2, axis=-1)
    cr = jnp.cross(R1, R2)
    ycr = jnp.sqrt(jnp.sum(cr * cr, axis=-1) + 1e-9)
    angle = jnp.arctan2(ycr, xdot)
    l = jnp.arange(NS, dtype=jnp.float32)
    cbf = jnp.cos(l[None, :] * angle[:, None])            # [T, NS]
    cbf = jnp.repeat(cbf, NR, axis=1)                     # repeat_interleave -> [T, NS*NR]
    sbf = rbf_env[ts] * cbf

    # InteractionBlocks
    for i in range(NBLK):
        m_rbf = m * (rbf @ Wi_rbf[i])
        x_kj = swish(m @ Wi_src[i])[ts]                   # gather onto triplets [T, EMB]
        sbf_p = sbf @ Wi_sbf[i]                           # [T, NB]
        tmp = (x_kj @ Wi_bil[i].reshape(EMB, NB * EMB)).reshape(-1, NB, EMB)
        msg = jnp.sum(tmp * sbf_p[:, :, None], axis=1)    # bilinear einsum 'wi,ilj,wl->wj'
        agg = jax.ops.segment_sum(msg, td, num_segments=E)
        h2 = swish((m_rbf + agg) @ Wi_before[i])
        m = m + h2
        for j in range(2):
            m = swish(m @ Wi_after[i, j])
        P = P + output_block(i + 1, m)

    return P

if __name__ == "__main__":
    import jax
    _d = setup_inputs()
    print(jax.jit(kernel)(*tuple(_d.values())))

</pallas_src>

<mosaic_0001>
#map = affine_map<(d0, d1) -> (0, 0)>
#map1 = affine_map<(d0, d1) -> (0)>
module attributes {stable_mosaic.version = 14 : i64} {
  func.func @k(%arg0: i32, %arg1: i32, %arg2: memref<10000x128xf32, #tpu.memory_space<hbm>>, %arg3: memref<163840xi32, #tpu.memory_space<hbm>>, %arg4: memref<163840x128xf32, #tpu.memory_space<hbm>>, %arg5: memref<5120xi32, #tpu.memory_space<vmem>>, %arg6: memref<2x80x128xf32, #tpu.memory_space<vmem>>, %arg7: memref<!tpu.dma_semaphore, #tpu.memory_space<semaphore_mem>>, %arg8: memref<!tpu.dma_semaphore, #tpu.memory_space<semaphore_mem>>) attributes {dimension_semantics = [#tpu.dimension_semantics<core_parallel>, #tpu.dimension_semantics<subcore_parallel>], iteration_bounds = array<i64: 2, 16>, scalar_prefetch = 0 : i64, scratch_operands = 4 : i64, tpu.core_type = #tpu.core_type<sc_vector_subcore>, window_params = [{transform_indices = #map}, {transform_indices = #map1}, {transform_indices = #map}]} {
    %mul3A = arith.constant 2 : i32
    %mul3A_0 = arith.muli %arg1, %mul3A : i32
    %add3A = arith.addi %mul3A_0, %arg0 : i32
    %mul3A_1 = arith.constant 5120 : i32
    %mul3A_2 = arith.muli %add3A, %mul3A_1 : i32
    %multiple_of3A = tpu.assume_multiple %mul3A_2, 8 : i32
    "tpu.region"() ({
      %run_scoped3A = tpu.sem_alloc : memref<!tpu.dma_semaphore, #tpu.memory_space<semaphore_mem>>
      %dma_start3A_33 = tpu.memref_slice %arg3[%multiple_of3A] : memref<163840xi32, #tpu.memory_space<hbm>> -> memref<5120xi32, #tpu.memory_space<hbm>>
      %dma_start3A_34 = tpu.memref_slice %arg3[%multiple_of3A] : memref<163840xi32, #tpu.memory_space<hbm>> -> memref<5120xi32, #tpu.memory_space<hbm>>
      tpu.enqueue_dma source(%dma_start3A_34 : memref<5120xi32, #tpu.memory_space<hbm>>) target(%arg5 : memref<5120xi32, #tpu.memory_space<vmem>>) target_semaphore(%run_scoped3A : memref<!tpu.dma_semaphore, #tpu.memory_space<semaphore_mem>>)
      %dma_wait3A_35 = tpu.memref_slice %arg3[%multiple_of3A] : memref<163840xi32, #tpu.memory_space<hbm>> -> memref<5120xi32, #tpu.memory_space<hbm>>
      %dma_wait3A_36 = tpu.memref_slice %arg3[%multiple_of3A] : memref<163840xi32, #tpu.memory_space<hbm>> -> memref<5120xi32, #tpu.memory_space<hbm>>
      tpu.wait_dma2 semaphore(%run_scoped3A : memref<!tpu.dma_semaphore, #tpu.memory_space<semaphore_mem>>) src(%dma_wait3A_36 : memref<5120xi32, #tpu.memory_space<hbm>>) dst(%arg5 : memref<5120xi32, #tpu.memory_space<vmem>>)
      tpu.yield
    }) : () -> ()
    %multiple_of3A_3 = arith.constant 0 : i32
    %multiple_of3A_4 = tpu.assume_multiple %multiple_of3A_3, 8 : i32
    %dma_start3A = arith.constant 0 : i32
    %dma_start3A_5 = arith.constant 0 : i32
    %dma_start3A_6 = arith.constant 0 : i32
    %dma_start3A_7 = tpu.memref_slice %arg6[%dma_start3A, %dma_start3A_5, %dma_start3A_6] : memref<2x80x128xf32, #tpu.memory_space<vmem>> -> memref<1x80x128xf32, #tpu.memory_space<vmem>>
    %dma_start3A_8 = tpu.memref_squeeze %dma_start3A_7 : memref<1x80x128xf32, #tpu.memory_space<vmem>> -> memref<80x128xf32, #tpu.memory_space<vmem>>
    %dma_start3A_9 = tpu.memref_slice %arg5[%multiple_of3A_4] : memref<5120xi32, #tpu.memory_space<vmem>> -> memref<80xi32, #tpu.memory_space<vmem>>
    %dma_start3A_10 = arith.constant 0 : i32
    %dma_start3A_11 = arith.constant 0 : i32
    %dma_start3A_12 = tpu.memref_slice %arg2[%dma_start3A_10, %dma_start3A_11] : memref<10000x128xf32, #tpu.memory_space<hbm>> -> memref<10000x128xf32, #tpu.memory_space<hbm>>
    tpu.enqueue_indirect_dma source(%dma_start3A_12 : memref<10000x128xf32, #tpu.memory_space<hbm>>) target(%dma_start3A_8 : memref<80x128xf32, #tpu.memory_space<vmem>>) offsets(%dma_start3A_9 : memref<80xi32, #tpu.memory_space<vmem>>) semaphore(%arg7 : memref<!tpu.dma_semaphore, #tpu.memory_space<semaphore_mem>>)
    %scan3A = arith.constant 0 : i32
    %scan3A_13 = arith.constant 0 : i32
    %scan3A_14 = arith.constant 64 : i32
    %scan3A_15 = arith.addi %scan3A_13, %scan3A_14 : i32
    %scan3A_16 = arith.constant 1 : i32
    scf.for %scan3A_33 = %scan3A_13 to %scan3A_15 step %scan3A_16  : i32 {
      %rem3A = arith.constant 2 : i32
      %rem3A_34 = arith.remsi %scan3A_33, %rem3A : i32
      %mul3A_35 = arith.constant 80 : i32
      %mul3A_36 = arith.muli %scan3A_33, %mul3A_35 : i32
      %multiple_of3A_37 = tpu.assume_multiple %mul3A_36, 8 : i32
      %dma_wait3A_38 = arith.constant 0 : i32
      %dma_wait3A_39 = arith.constant 0 : i32
      %dma_wait3A_40 = tpu.memref_slice %arg6[%rem3A_34, %dma_wait3A_38, %dma_wait3A_39] : memref<2x80x128xf32, #tpu.memory_space<vmem>> -> memref<1x80x128xf32, #tpu.memory_space<vmem>>
      %dma_wait3A_41 = tpu.memref_squeeze %dma_wait3A_40 : memref<1x80x128xf32, #tpu.memory_space<vmem>> -> memref<80x128xf32, #tpu.memory_space<vmem>>
      %dma_wait3A_42 = tpu.memref_slice %arg5[%multiple_of3A_37] : memref<5120xi32, #tpu.memory_space<vmem>> -> memref<80xi32, #tpu.memory_space<vmem>>
      %dma_wait3A_43 = arith.constant 0 : i32
      %dma_wait3A_44 = arith.constant 0 : i32
      %dma_wait3A_45 = tpu.memref_slice %arg2[%dma_wait3A_43, %dma_wait3A_44] : memref<10000x128xf32, #tpu.memory_space<hbm>> -> memref<10000x128xf32, #tpu.memory_space<hbm>>
      tpu.wait_indirect_dma semaphore(%arg7 : memref<!tpu.dma_semaphore, #tpu.memory_space<semaphore_mem>>) src(%dma_wait3A_45 : memref<10000x128xf32, #tpu.memory_space<hbm>>) dst(%dma_wait3A_41 : memref<80x128xf32, #tpu.memory_space<vmem>>)
      %ge3A = arith.constant 1 : i32
      %ge3A_46 = arith.cmpi sge, %scan3A_33, %ge3A : i32
      %convert_element_type3A = arith.extui %ge3A_46 : i1 to i32
      %cond3A = arith.constant 0 : i32
      %cond3A_47 = arith.cmpi ne, %convert_element_type3A, %cond3A : i32
      scf.if %cond3A_47 {
        %sub3A = arith.constant 1 : i32
        %sub3A_70 = arith.subi %scan3A_33, %sub3A : i32
        %sub3A_71 = arith.constant 1 : i32
        %sub3A_72 = arith.subi %sub3A_71, %rem3A_34 : i32
        %mul3A_73 = arith.constant 80 : i32
        %mul3A_74 = arith.muli %sub3A_70, %mul3A_73 : i32
        %add3A_75 = arith.addi %multiple_of3A, %mul3A_74 : i32
        %multiple_of3A_76 = tpu.assume_multiple %add3A_75, 8 : i32
        %dma_wait3A_77 = arith.constant 0 : i32
        %dma_wait3A_78 = arith.constant 0 : i32
        %dma_wait3A_79 = tpu.memref_slice %arg6[%sub3A_72, %dma_wait3A_77, %dma_wait3A_78] : memref<2x80x128xf32, #tpu.memory_space<vmem>> -> memref<1x80x128xf32, #tpu.memory_space<vmem>>
        %dma_wait3A_80 = tpu.memref_squeeze %dma_wait3A_79 : memref<1x80x128xf32, #tpu.memory_space<vmem>> -> memref<80x128xf32, #tpu.memory_space<vmem>>
        %dma_wait3A_81 = arith.constant 0 : i32
        %dma_wait3A_82 = tpu.memref_slice %arg4[%multiple_of3A_76, %dma_wait3A_81] : memref<163840x128xf32, #tpu.memory_space<hbm>> -> memref<80x128xf32, #tpu.memory_space<hbm>>
        %dma_wait3A_83 = arith.constant 0 : i32
        %dma_wait3A_84 = tpu.memref_slice %arg4[%multiple_of3A_76, %dma_wait3A_83] : memref<163840x128xf32, #tpu.memory_space<hbm>> -> memref<80x128xf32, #tpu.memory_space<hbm>>
        %dma_wait3A_85 = arith.constant 0 : i32
        %dma_wait3A_86 = arith.constant 0 : i32
        %dma_wait3A_87 = tpu.memref_slice %arg6[%sub3A_72, %dma_wait3A_85, %dma_wait3A_86] : memref<2x80x128xf32, #tpu.memory_space<vmem>> -> memref<1x80x128xf32, #tpu.memory_space<vmem>>
        %dma_wait3A_88 = tpu.memref_squeeze %dma_wait3A_87 : memref<1x80x128xf32, #tpu.memory_space<vmem>> -> memref<80x128xf32, #tpu.memory_space<vmem>>
        tpu.wait_dma2 semaphore(%arg8 : memref<!tpu.dma_semaphore, #tpu.memory_space<semaphore_mem>>) src(%dma_wait3A_88 : memref<80x128xf32, #tpu.memory_space<vmem>>) dst(%dma_wait3A_84 : memref<80x128xf32, #tpu.memory_space<hbm>>)
      } else {
      }
      %add3A_48 = arith.constant 1 : i32
      %add3A_49 = arith.addi %scan3A_33, %add3A_48 : i32
      %lt3A = arith.constant 64 : i32
      %lt3A_50 = arith.cmpi slt, %add3A_49, %lt3A : i32
      %convert_element_type3A_51 = arith.extui %lt3A_50 : i1 to i32
      %cond3A_52 = arith.constant 0 : i32
      %cond3A_53 = arith.cmpi ne, %convert_element_type3A_51, %cond3A_52 : i32
      scf.if %cond3A_53 {
        %add3A_70 = arith.constant 1 : i32
        %add3A_71 = arith.addi %scan3A_33, %add3A_70 : i32
        %sub3A = arith.constant 1 : i32
        %sub3A_72 = arith.subi %sub3A, %rem3A_34 : i32
        %mul3A_73 = arith.constant 80 : i32
        %mul3A_74 = arith.muli %add3A_71, %mul3A_73 : i32
        %multiple_of3A_75 = tpu.assume_multiple %mul3A_74, 8 : i32
        %dma_start3A_76 = arith.constant 0 : i32
        %dma_start3A_77 = arith.constant 0 : i32
        %dma_start3A_78 = tpu.memref_slice %arg6[%sub3A_72, %dma_start3A_76, %dma_start3A_77] : memref<2x80x128xf32, #tpu.memory_space<vmem>> -> memref<1x80x128xf32, #tpu.memory_space<vmem>>
        %dma_start3A_79 = tpu.memref_squeeze %dma_start3A_78 : memref<1x80x128xf32, #tpu.memory_space<vmem>> -> memref<80x128xf32, #tpu.memory_space<vmem>>
        %dma_start3A_80 = tpu.memref_slice %arg5[%multiple_of3A_75] : memref<5120xi32, #tpu.memory_space<vmem>> -> memref<80xi32, #tpu.memory_space<vmem>>
        %dma_start3A_81 = arith.constant 0 : i32
        %dma_start3A_82 = arith.constant 0 : i32
        %dma_start3A_83 = tpu.memref_slice %arg2[%dma_start3A_81, %dma_start3A_82] : memref<10000x128xf32, #tpu.memory_space<hbm>> -> memref<10000x128xf32, #tpu.memory_space<hbm>>
        tpu.enqueue_indirect_dma source(%dma_start3A_83 : memref<10000x128xf32, #tpu.memory_space<hbm>>) target(%dma_start3A_79 : memref<80x128xf32, #tpu.memory_space<vmem>>) offsets(%dma_start3A_80 : memref<80xi32, #tpu.memory_space<vmem>>) semaphore(%arg7 : memref<!tpu.dma_semaphore, #tpu.memory_space<semaphore_mem>>)
      } else {
      }
      %mul3A_54 = arith.constant 80 : i32
      %mul3A_55 = arith.muli %scan3A_33, %mul3A_54 : i32
      %add3A_56 = arith.addi %multiple_of3A, %mul3A_55 : i32
      %multiple_of3A_57 = tpu.assume_multiple %add3A_56, 8 : i32
      %dma_start3A_58 = arith.constant 0 : i32
      %dma_start3A_59 = arith.constant 0 : i32
      %dma_start3A_60 = tpu.memref_slice %arg6[%rem3A_34, %dma_start3A_58, %dma_start3A_59] : memref<2x80x128xf32, #tpu.memory_space<vmem>> -> memref<1x80x128xf32, #tpu.memory_space<vmem>>
      %dma_start3A_61 = tpu.memref_squeeze %dma_start3A_60 : memref<1x80x128xf32, #tpu.memory_space<vmem>> -> memref<80x128xf32, #tpu.memory_space<vmem>>
      %dma_start3A_62 = arith.constant 0 : i32
      %dma_start3A_63 = tpu.memref_slice %arg4[%multiple_of3A_57, %dma_start3A_62] : memref<163840x128xf32, #tpu.memory_space<hbm>> -> memref<80x128xf32, #tpu.memory_space<hbm>>
      %dma_start3A_64 = arith.constant 0 : i32
      %dma_start3A_65 = tpu.memref_slice %arg4[%multiple_of3A_57, %dma_start3A_64] : memref<163840x128xf32, #tpu.memory_space<hbm>> -> memref<80x128xf32, #tpu.memory_space<hbm>>
      %dma_start3A_66 = arith.constant 0 : i32
      %dma_start3A_67 = arith.constant 0 : i32
      %dma_start3A_68 = tpu.memref_slice %arg6[%rem3A_34, %dma_start3A_66, %dma_start3A_67] : memref<2x80x128xf32, #tpu.memory_space<vmem>> -> memref<1x80x128xf32, #tpu.memory_space<vmem>>
      %dma_start3A_69 = tpu.memref_squeeze %dma_start3A_68 : memref<1x80x128xf32, #tpu.memory_space<vmem>> -> memref<80x128xf32, #tpu.memory_space<vmem>>
      tpu.enqueue_dma source(%dma_start3A_69 : memref<80x128xf32, #tpu.memory_space<vmem>>) target(%dma_start3A_65 : memref<80x128xf32, #tpu.memory_space<hbm>>) target_semaphore(%arg8 : memref<!tpu.dma_semaphore, #tpu.memory_space<semaphore_mem>>)
    }
    %scan3A_17 = arith.constant 64 : i32
    %add3A_18 = arith.constant 5040 : i32
    %add3A_19 = arith.addi %multiple_of3A, %add3A_18 : i32
    %multiple_of3A_20 = tpu.assume_multiple %add3A_19, 8 : i32
    %dma_wait3A = arith.constant 1 : i32
    %dma_wait3A_21 = arith.constant 0 : i32
    %dma_wait3A_22 = arith.constant 0 : i32
    %dma_wait3A_23 = tpu.memref_slice %arg6[%dma_wait3A, %dma_wait3A_21, %dma_wait3A_22] : memref<2x80x128xf32, #tpu.memory_space<vmem>> -> memref<1x80x128xf32, #tpu.memory_space<vmem>>
    %dma_wait3A_24 = tpu.memref_squeeze %dma_wait3A_23 : memref<1x80x128xf32, #tpu.memory_space<vmem>> -> memref<80x128xf32, #tpu.memory_space<vmem>>
    %dma_wait3A_25 = arith.constant 0 : i32
    %dma_wait3A_26 = tpu.memref_slice %arg4[%multiple_of3A_20, %dma_wait3A_25] : memref<163840x128xf32, #tpu.memory_space<hbm>> -> memref<80x128xf32, #tpu.memory_space<hbm>>
    %dma_wait3A_27 = arith.constant 0 : i32
    %dma_wait3A_28 = tpu.memref_slice %arg4[%multiple_of3A_20, %dma_wait3A_27] : memref<163840x128xf32, #tpu.memory_space<hbm>> -> memref<80x128xf32, #tpu.memory_space<hbm>>
    %dma_wait3A_29 = arith.constant 0 : i32
    %dma_wait3A_30 = arith.constant 0 : i32
    %dma_wait3A_31 = tpu.memref_slice %arg6[%dma_wait3A, %dma_wait3A_29, %dma_wait3A_30] : memref<2x80x128xf32, #tpu.memory_space<vmem>> -> memref<1x80x128xf32, #tpu.memory_space<vmem>>
    %dma_wait3A_32 = tpu.memref_squeeze %dma_wait3A_31 : memref<1x80x128xf32, #tpu.memory_space<vmem>> -> memref<80x128xf32, #tpu.memory_space<vmem>>
    tpu.wait_dma2 semaphore(%arg8 : memref<!tpu.dma_semaphore, #tpu.memory_space<semaphore_mem>>) src(%dma_wait3A_32 : memref<80x128xf32, #tpu.memory_space<vmem>>) dst(%dma_wait3A_28 : memref<80x128xf32, #tpu.memory_space<hbm>>)
    return
  }
}

</mosaic_0001>

<sc_bundles>
// kernel: _sc_gather.3.cloned.1.call-start
scs
__scs_entry_jumppad:
0x0: {  	(pc) =	sbr.rel $0x88, $3  }
0x1: {  	(tag) =	ssettag $0x0;
	lr =	simm.s32 $0x1  }
0x2: {  	[smem:$0x3F9F] =	sst lr;
	_ =	strace $0xD0000000  }
0x3: {  	_ = 	snop  }
0x4: {  	_ = 	snop  }
0x5: {  	_ = 	snop  }
0x6: {  	_ = 	snop  }
0x7: {  	_ = 	snop  }
__scs_overlays_trampoline_lowered:
0x8: {  	[smem:$0x3FAE] =	sst s0  }
0x9: {  	[smem:$0x3FAF] =	sst s1  }
0xa: {  	[smem:$0x3FB0] =	sst s2  }
0xb: {  	[smem:$0x3FB1] =	sst s3  }
0xc: {  	[smem:$0x3FB2] =	sst s4  }
0xd: {  	[smem:$0x3FB3] =	sst s5  }
0xe: {  	[smem:$0x3FB4] =	sst s6  }
0xf: {  	[smem:$0x3FB5] =	sst s7  }
0x10: {  	[smem:$0x3FB6] =	sst s8  }
0x11: {  	[smem:$0x3FB7] =	sst s9;
	s0 =	simm.s32 @!p0 $0x0  }
0x12: {  	s1 =	sld [smem:$0x3F9D];
	s0 =	simm.s32 @p0 $0x1  }
0x13: {  	[smem:$0x3FB8] =	sst s0;
	s0 =	simm.s32 @!p1 $0x0  }
0x14: {  	s2 =	sld [smem:$0x3F9C];
	s0 =	simm.s32 @p1 $0x1  }
0x15: {  	[smem:$0x3FB9] =	sst s0;
	s0 =	simm.s32 @!p2 $0x0  }
0x16: {  	s3 =	sld [smem:$0x3FDB];
	s0 =	simm.s32 @p2 $0x1  }
0x17: {  	s4 =	simm.s32 $0x1BF5;
	[smem:$0x3FBB] =	sst s0  }
0x18: {  	s0 =	sld [smem:$0x3F9E];
	_ =	swait.ge [sflag:s4], $0x0  }
0x19: {  	s7 =	sld [smem:$0x3F9F]  }
0x1a: {  	s8 =	sadd.s32 $0xFFFFE003, lr  }
0x1b: {  	s9 =	sadd.s32 $0xFFFFFEF7, lr;
	s5 =	simm.s32 $0xFFFFFFFF;
	p2 =	slt.u32 s8, $0xFFFFF086  }
0x1c: {  	p1 =	slt.u32 s9, $0xF7A;
	s5 =	simm.s32 @!p2 $0x0  }
0x1d: {  	s5 =	simm.s32 @p1 $0x1;
	p0 =	seq.s32 s7, s2  }
0x1e: {  	s7 =	smul.u32 @!p0 $0xF7A, s2;
	p2 =	seq.s32 @!p0 s5, $0x0  }
0x1f: {  	s9 =	smul.u32 $0xF7A, s1;
	s8 =	simm.s32 @!p0 $0x1BF5;
	p2 =	por !p2, p0  }
0x20: {  	[sflag:s8] =	ssyncset.s32 @!p0 $0xFFFFF086;
	s6 =	sadd.s32 @!p0 s3, s7;
	s7 =	simm.s32 @!p0 $0x108  }
0x21: {  	s3 =	sadd.s32 s3, s9;
	s6 =	sadd.s32 @!p0 $0x88, s6;
	s7 =	simm.s32 @p2 $0x1082  }
0x22: {  	[simem:s7], [sflag:s8] =	dma.local @!p0 [hbm:s6], $0xF7A  }
0x23: {  	s9 =	sor.u32 $0xD0000000, s2;
	s6 =	simm.s32 $0x108;
	_ =	swait.ge @!p0 [sflag:s8], $0x0  }
0x24: {  	s3 =	sadd.s32 $0x88, s3;
	s6 =	simm.s32 @!p1 $0x1082;
	[sflag:s4] =	ssyncset.s32 $0xFFFFF086  }
0x25: {  	[simem:s6], [sflag:s4] =	dma.local [hbm:s3], $0xF7A  }
0x26: {  	[smem:$0x3F9F] =	sst s1;
	(tag) =	ssettag s2;
	_ =	strace s9  }
0x27: {  	s1 =	sld [smem:$0x3FAF]  }
0x28: {  	s2 =	sld [smem:$0x3FB0]  }
0x29: {  	s4 =	sld [smem:$0x3FB2]  }
0x2a: {  	p0 =	seq.s32 s5, $0x0;
	s5 =	sld [smem:$0x3FB3]  }
0x2b: {  	s6 =	sld [smem:$0x3FB4]  }
0x2c: {  	s7 =	sld [smem:$0x3FB5]  }
0x2d: {  	s3 =	simm.s32 $0x108;
	s8 =	sld [smem:$0x3FB6]  }
0x2e: {  	s3 =	simm.s32 @!p0 $0x1082;
	s9 =	sld [smem:$0x3FB7]  }
0x2f: {  	lr =	sadd.s32 s0, s3;
	s0 =	sld [smem:$0x3FAE]  }
0x30: {  	s3 =	sld [smem:$0x3FB1]  }
0x31: {  	[smem:$0x3FBA] =	sst s10  }
0x32: {  	s10 =	sld [smem:$0x3FB8];
	_ =	sdelay $0x3  }
0x33: {  	p0 =	seq.s32 s10, $0x1;
	s10 =	sld [smem:$0x3FBA];
	_ =	sdelay $0x3  }
0x34: {  	[smem:$0x3FBA] =	sst s10  }
0x35: {  	s10 =	sld [smem:$0x3FB9];
	_ =	sdelay $0x3  }
0x36: {  	p1 =	seq.s32 s10, $0x1;
	s10 =	sld [smem:$0x3FBA];
	_ =	sdelay $0x3  }
0x37: {  	[smem:$0x3FBA] =	sst s10  }
0x38: {  	s10 =	sld [smem:$0x3FBB]  }
0x39: {  	_ = 	snop;
	(pc) =	sbr.ind lr, $3  }
0x3a: {  	_ = 	snop  }
0x3b: {  	_ = 	snop  }
0x3c: {  	p2 =	seq.s32 s10, $0x1;
	s10 =	sld [smem:$0x3FBA]  }
0x3d: {  	_ =	shalt  }
0x3e: {  	_ =	shalt  }
0x3f: {  	_ =	shalt  }
0x40: {  	_ =	shalt  }
0x41: {  	_ =	shalt  }
0x42: {  	_ =	shalt  }
0x43: {  	_ =	shalt  }
0x44: {  	_ =	shalt  }
0x45: {  	_ =	shalt  }
0x46: {  	_ =	shalt  }
0x47: {  	_ =	shalt  }
0x48: {  	_ =	shalt  }
0x49: {  	_ =	shalt  }
0x4a: {  	_ =	shalt  }
0x4b: {  	_ =	shalt  }
0x4c: {  	_ =	shalt  }
0x4d: {  	_ =	shalt  }
0x4e: {  	_ =	shalt  }
0x4f: {  	_ =	shalt  }
0x50: {  	_ =	shalt  }
0x51: {  	_ =	shalt  }
0x52: {  	_ =	shalt  }
0x53: {  	_ =	shalt  }
0x54: {  	_ =	shalt  }
0x55: {  	_ =	shalt  }
0x56: {  	_ =	shalt  }
0x57: {  	_ =	shalt  }
0x58: {  	_ =	shalt  }
0x59: {  	_ =	shalt  }
0x5a: {  	_ =	shalt  }
0x5b: {  	_ =	shalt  }
0x5c: {  	_ =	shalt  }
0x5d: {  	_ =	shalt  }
0x5e: {  	_ =	shalt  }
0x5f: {  	_ =	shalt  }
0x60: {  	_ =	shalt  }
0x61: {  	_ =	shalt  }
0x62: {  	_ =	shalt  }
0x63: {  	_ =	shalt  }
0x64: {  	_ =	shalt  }
0x65: {  	_ =	shalt  }
0x66: {  	_ =	shalt  }
0x67: {  	_ =	shalt  }
0x68: {  	_ =	shalt  }
0x69: {  	_ =	shalt  }
0x6a: {  	_ =	shalt  }
0x6b: {  	_ =	shalt  }
0x6c: {  	_ =	shalt  }
0x6d: {  	_ =	shalt  }
0x6e: {  	_ =	shalt  }
0x6f: {  	_ =	shalt  }
0x70: {  	_ =	shalt  }
0x71: {  	_ =	shalt  }
0x72: {  	_ =	shalt  }
0x73: {  	_ =	shalt  }
0x74: {  	_ =	shalt  }
0x75: {  	_ =	shalt  }
0x76: {  	_ =	shalt  }
0x77: {  	_ =	shalt  }
0x78: {  	_ =	shalt  }
0x79: {  	_ =	shalt  }
0x7a: {  	_ =	shalt  }
0x7b: {  	_ =	shalt  }
0x7c: {  	_ =	shalt  }
0x7d: {  	_ =	shalt  }
0x7e: {  	_ =	shalt  }
0x7f: {  	_ =	shalt  }
0x80: {  	_ =	shalt  }
0x81: {  	_ =	shalt  }
0x82: {  	_ =	shalt  }
0x83: {  	_ =	shalt  }
0x84: {  	_ =	shalt  }
0x85: {  	_ =	shalt  }
0x86: {  	_ =	shalt  }
0x87: {  	_ =	shalt  }
.Lfunc_end0:
.L_simem_size_0:
called_computation_lowered:
.L_overlay_start_0:
0x88: {  	s2 =	sld [smem:$0x3FD9]  }
0x89: {  	s3 =	sld [smem:$0x3FFE];
	_ =	sdelay $0x1  }
0x8a: {  	s1 =	srdreg.scid  }
0x8b: {  	s0 =	sand.u32 $0x1, s1  }
0x8c: {  	s18 =	sshll.u32 s0, $0xA;
	s2 =	sadd.s32 s3, s2  }
0x8d: {  	s2 =	sadd.s32 s2, s18  }
0x8e: {  	[smem:$0x3FC6] =	sst s2  }
0x8f: {  	_ = 	snop  }
0x90: {  	s2 =	sld [smem:$0x3FC9]  }
0x91: {  	s19 =	sld [smem:$0x3FC8]  }
0x92: {  	s4 =	sld [smem:$0x3FD0];
	(tm) =	ssettm $0x1  }
0x93: {  	s5 =	sld [smem:$0x3FFB];
	_ =	sdelay $0x3  }
0x94: {  	_ =	strace s5  }
0x95: {  	s5 =	sld [smem:$0x3FFC];
	_ =	sdelay $0x3  }
0x96: {  	_ =	strace s5  }
0x97: {  	s5 =	sld [smem:$0x3FFD];
	_ =	sdelay $0x3  }
0x98: {  	_ =	strace s5  }
0x99: {  	_ =	strace $0x8FFFFFFF  }
0x9a: {  	s20 =	sld [smem:$0x3FDB];
	_ =	sdelay $0x1  }
0x9b: {  	s6 =	simm.s32 $_scs_section_size  }
0x9c: {  	s7 =	simm.s32 $_size__tile_overlayer_lowered;
	s8 =	simm.s32 $_tile_overlayer_lowered  }
0x9d: {  	s23 =	simm.s32 $0x1BFF;
	s22 =	sshll.u32 s8, $0x1;
	s5 =	sadd.s32 s6, s20  }
0x9e: {  	s9 =	simm.s32 $0x0;
	s21 =	sshll.u32 s7, $0x1;
	s7 =	sadd.s32 s22, s5  }
0x9f: {  	[timem:s9], [sflag:s23] =	dma.local [hbm:s7], s21  }
0xa0: {  	_ =	swait.ge [sflag:s23], s21  }
0xa1: {  	s6 =	ssub.s32 $0x0, s21;
	[sflag:s23] =	ssyncset.done $0x0  }
0xa2: {  	[sflag:s23] =	ssyncadd.s32 s6;
	_ =	sdelay $0x1  }
0xa3: {  	s24 =	simm.s32 $0x1B8B  }
0xa4: {  	_ =	swait.ge [sflag:s24], $0x1  }
0xa5: {  	[sflag:s24] =	ssyncset.done $0x0  }
0xa6: {  	s25 =	simm.s32 $0x1B8E;
	[sflag:s24] =	ssyncadd.s32 $0xFFFFFFFF  }
0xa7: {  	s26 =	simm.s32 $execute0_lowered;
	[smem:$0x3FD2] =	sst s25  }
0xa8: {  	s6 =	sshll.u32 s26, $0x1;
	_ =	strace $0x80000046;
	[dreg:$0x1] =	wrdreg $0xFFFFFFFF  }
0xa9: {  	s28 =	simm.s32 $_size_execute0_lowered;
	s5 =	sadd.s32 s5, s6;
	[dreg:$0x0] =	wrdreg $0x0  }
0xaa: {  	s6 =	sshll.u32 s28, $0x1;
	[dreg:$0x2] =	wrdreg s5  }
0xab: {  	[dreg:$0x3] =	wrdreg s6  }
0xac: {  	[dreg:$0x4] =	wrdreg $0xC0  }
0xad: {  	_ =	task [dreg:s9], $0x5FFFF  }
0xae: {  	[dreg:$0x1] =	wrdreg $0xFFFFFFFF  }
0xaf: {  	[dreg:$0x0] =	wrdreg $0x60  }
0xb0: {  	[dreg:$0x2] =	wrdreg s2  }
0xb1: {  	[dreg:$0x3] =	wrdreg s19  }
0xb2: {  	[dreg:$0x4] =	wrdreg s4  }
0xb3: {  	[dreg:$0x5] =	wrdreg $0x9  }
0xb4: {  	_ =	task.clear_ibuf [dreg:s9], $0x6FFFF;
	_ =	strace $0x90000046  }
0xb5: {  	s29 =	simm.s32 $0x9;
	_ =	strace $0x80000048  }
0xb6: {  	_ =	swait.ge [sflag:s29], $0x1  }
0xb7: {  	[sflag:s29] =	ssyncadd.s32 $0xFFFFFFFF  }
0xb8: {  	_ =	strace $0x90000048  }
0xb9: {  	_ =	sfence  }
0xba: {  	s30 =	sld [smem:$0x0];
	_ =	sdelay $0x2  }
0xbb: {  	s31 =	sshll.u32 s1, $0xD;
	s1 =	sshrl.u32 s1, $0x2  }
0xbc: {  	s3 =	sand.u32 $0x4000, s31;
	s1 =	sadd.s32 s1, s30  }
0xbd: {  	s0 =	sor.u32 s3, s0;
	s1 =	sshll.u32 s1, $0x11  }
0xbe: {  	s0 =	sor.u32 s1, s0  }
0xbf: {  	s0 =	sadd.s32 $0x8F2B, s0  }
0xc0: {  	[sflag:s0] =	ssyncadd.remote.s32 $0x1  }
0xc1: {  	_ =	sfence.sel $0xFFFF  }
0xc2: {  	[dreg:$0x0] =	wrdreg $0xFFFFFFFF;
	(pc) =	sbr.abs _section_cstart, $3  }
0xc3: {  	[dreg:$0x1] =	wrdreg $0xFFFFFFFF  }
0xc4: {  	_ =	task.clear_ibuf [dreg:s9], $0x2FFFF;
	_ =	strace $0x9FFFFFFF  }
0xc5: {  	(tm) =	ssettm $0x7FFFFFFF  }
tec
execute0_lowered:
.L_overlay_start_1:
0x0: {  	(tag) =	ssettag $0x1  }
0x1: {  	s2 =	srdreg.scid;
	s1 =	rddreg [dreg:$0x0]  }
0x2: {  	s0 =	stileid.u32;
	s6 =	rddreg [dreg:$0x1];
	s5 =	simm.s32 $0x0  }
0x3: {  	s9 =	simm.s32 $0x50;
	s10 =	simm.s32 $0x1400;
	s11 =	simm.s32 $0x1  }
0x4: {  	s12 =	simm.s32 $0x2;
	s2 =	sand.u32 $0x1, s2;
	s3 =	sshll.u32 s0, $0x1  }
.Ltmp0:
0x5: {  	[smem:$0x7FF] =	sst s5;
	s4 =	sor.u32 s2, s3;
	(pc) =	sbr.rel .LBB2_1-.Ltmp0, $4  }
0x6: {  	s3 =	rddreg [dreg:$0x2];
	s7 =	ssub.s32 $0x2, s2;
	s4 =	smul.u32 $0x1400, s4  }
0x7: {  	s13 =	simm.s32 $0x0;
	s2 =	rddreg [dreg:$0x3];
	s8 =	sshrl.u32 s7, $0x1  }
0x8: {  	_ =	strace $0x80000047;
	s7 =	ssub.s32 s7, s8;
	s31 =	sshrl.u32 s4, $0x3  }
0x9: {  	s8 =	simm.s32 $0x3;
	s7 =	smax.u32 s7, $0x1;
	s6 =	sadd.s32 s6, s31  }
.LBB2_5:
0xa: {  	s13 =	sadd.s32 $0x1, s13  }
0xb: {  	p0 =	sne.s32 s13, s7  }
.Ltmp1:
0xc: {  	_ = 	snop;
	(pc) =	sbr.rel @!p0 .LBB2_6-.Ltmp1, $4  }
0xd: {  	_ = 	snop  }
0xe: {  	_ =	swait.ge [sflag:s12], $0x2800  }
0xf: {  	[sflag:s12] =	ssyncset.done $0x0  }
0x10: {  	[sflag:s12] =	ssyncadd.s32 $0xFFFFD800  }
.LBB2_1:
0x11: {  	[tilespmem:s5], [sflag:$0x3] =	stream.linear.gather [hbm4b:s6+s5], $0x1400, $0x38;
	[tilespmem:$0x6400] =	vst v63  }
.Ltmp2:
0x12: {  	_ = 	snop;
	(pc) =	sbr.rel .LBB2_2-.Ltmp2, $4  }
0x13: {  	_ =	swait.ge [sflag:s8], $0x1400  }
0x14: {  	[sflag:s8] =	ssyncset.done $0x0  }
0x15: {  	s14 =	simm.s32 $0x0;
	[sflag:s8] =	ssyncadd.s32 $0xFFFFEC00  }
0x16: {  	[tilespmem:s10], [sflag:$0x1] =	stream.indirect.gather [hbm4b:s1+s9], $0x80, s5, s9, $0xb8;
	[tilespmem:$0x6400] =	vst v63  }
.LBB2_4:
0x17: {  	s14 =	smul.u32 $0x50, s14  }
0x18: {  	s16 =	smul.u32 $0xA000, s16;
	p0 =	slt.u32 s15, $0x40  }
.Ltmp3:
0x19: {  	s14 =	sadd.s32 s4, s14;
	(pc) =	sbr.rel @!p0 .LBB2_5-.Ltmp3, $4  }
0x1a: {  	s16 =	sshrl.u32 s16, $0x2;
	s14 =	sshll.u32 s14, $0x4  }
0x1b: {  	s16 =	sadd.s32 $0x1400, s16;
	s14 =	sadd.s32 s3, s14  }
0x1c: {  	[hbm4b:s14+s5] =	stream.linear.scatter [tilespmem:s16], [sflag:$0x2], $0x2800, $0x38;
	[tilespmem:$0x6400] =	vst v63  }
0x1d: {  	s14 =	smov.u32 s15  }
.LBB2_2:
0x1e: {  	p0 =	seq.s32 s14, $0x0  }
0x1f: {  	p1 =	seq.s32 @!p0 s14, $0x3F  }
0x20: {  	_ =	swait.ge [sflag:s11], $0x2800;
	p1 =	por p0, !p1  }
.Ltmp4:
0x21: {  	[sflag:s11] =	ssyncset.done $0x0;
	(pc) =	sbr.rel @!p1 .LBB2_4-.Ltmp4, $4  }
0x22: {  	s15 =	simm.s32 @!p0 $0x2;
	[sflag:s11] =	ssyncadd.s32 $0xFFFFD800  }
0x23: {  	_ =	swait.ge @!p0 [sflag:s15], $0x2800  }
0x24: {  	[sflag:s15] =	ssyncset.done @!p0 $0x0  }
0x25: {  	s16 =	sand.u32 $0x1, s14;
	[sflag:s15] =	ssyncadd.s32 @!p0 $0xFFFFD800;
	s15 =	simm.s32 @!p0 $0x40  }
0x26: {  	s17 =	sxor.u32 $0x1, s16  }
0x27: {  	s15 =	sadd.s32 @!p0 $0x1, s14;
	s17 =	smul.u32 $0xA000, s17  }
.Ltmp5:
0x28: {  	s15 =	simm.s32 @p0 $0x1;
	(pc) =	sbr.rel .LBB2_4-.Ltmp5, $4  }
0x29: {  	s18 =	smul.u32 $0x140, s15  }
0x2a: {  	s17 =	sshrl.u32 s17, $0x2  }
0x2b: {  	s17 =	sadd.s32 $0x1400, s17;
	s18 =	sshra.s32 s18, $0x2  }
0x2c: {  	[tilespmem:s17], [sflag:$0x1] =	stream.indirect.gather [hbm4b:s1+s9], $0x80, s18, s9, $0xb8;
	[tilespmem:$0x6400] =	vst v63  }
.LBB2_6:
0x2d: {  	_ =	sfence.sel $0x180000  }
0x2e: {  	[bflag:$0x0] =	sbarrier.arrive $0xFFFF  }
0x2f: {  	p0 =	sne.s32 s0, $0x0;
	_ =	strace $0x90000047  }
0x30: {  	s0 =	sadd.s32 @!p0 $0x100000, s2;
	[bflag:$0x2] =	sbarrier.arrive $0xFFFF  }
0x31: {  	[sflag:s0] =	ssyncadd.tile.s32 @!p0 $0x1;
	_ =	shalt  }
.Lfunc_end2:
_tile_overlayer_lowered:
.L_overlay_start_2:
0x32: {  	(tag) =	ssettag $0x2  }
0x33: {  	s0 =	rddreg [dreg:$0x0];
	s2 =	stileid.u32  }
0x34: {  	s1 =	rddreg [dreg:$0x1];
	p0 =	sne.s32 s2, $0x0  }
0x35: {  	s3 =	rddreg [dreg:$0x2];
	[bflag:$0x3] =	sbarrier.arrive $0xFFFF;
	s2 =	simm.s32 @!p0 $0x1C03  }
0x36: {  	[timem:s3], [sflag:s2] =	dma.local @!p0 [hbm:s0], s1  }
0x37: {  	s0 =	simm.s32 @!p0 $0x3  }
0x38: {  	_ =	swait.ge @!p0 [sflag:s0], s1  }
0x39: {  	s1 =	ssub.s32 @!p0 $0x0, s1;
	[sflag:s0] =	ssyncset.done @!p0 $0x0  }
0x3a: {  	[sflag:s0] =	ssyncadd.s32 @!p0 s1  }
0x3b: {  	[bflag:$0x3] =	sbarrier.arrive $0xFFFF  }
0x3c: {  	_ =	shalt  }

</sc_bundles>
